<compile_context>
chip_gen: v7x
topology: tpu7x:2x2x1
jax: 0.10.2.dev20260603
libtpu: 0.0.44.dev20260713+nightly
codegen_flags: <defaults>
</compile_context>

<pallas_src>
import functools

import jax
import jax.numpy as jnp
from jax.experimental import pallas as pl
from jax.experimental.pallas import tpu as pltpu
from jax.experimental.pallas import tpu_sc as plsc

NUM_HEADS = 16
NUM_GROUPS = 4
HPG = NUM_HEADS // NUM_GROUPS
NUM_VARS = 16
EMB_DIM = 256
BS = 2
SEQ = 2048
CH = 16
NW = 32


def _table_kernel(vid_ref, emb_ref, t_ref, idx_ref):
    n = pl.program_id(0)
    e = emb_ref[0]
    g = jax.lax.dot_general(
        e, e, (((1,), (1,)), ((), ())),
        preferred_element_type=jnp.float32,
        precision=jax.lax.Precision.HIGHEST,
    )
    v = vid_ref[...]
    iota_k = jax.lax.broadcasted_iota(jnp.int32, (NUM_VARS, SEQ), 0)
    onehot_k = (v == iota_k).astype(jnp.float32)
    t_ref[...] = jnp.dot(g, onehot_k, preferred_element_type=jnp.float32)
    idx_ref[...] = (v + n * NUM_VARS)[None]


def _sc_expand_body(idx_hbm, t_hbm, out_hbm, idx_v, rows_v, sem):
    cid = jax.lax.axis_index("c")
    sid = jax.lax.axis_index("s")
    wid = sid * 2 + cid
    n = jax.lax.rem(wid, NUM_HEADS)
    b = wid // NUM_HEADS
    base = b * (NUM_HEADS * SEQ) + n * SEQ

    pltpu.sync_copy(idx_hbm.at[n], idx_v)

    nit = SEQ // CH

    def gather(i, slot):
        return pltpu.make_async_copy(
            t_hbm.at[idx_v.at[pl.ds(i * CH, CH)]],
            rows_v.at[slot],
            sem.at[slot],
        )

    gather(0, 0).start()

    def body(i, slot):
        gather(i, slot).wait()
        nxt = 1 - slot

        @pl.when(i + 1 < nit)
        def _():
            gather(i + 1, nxt).start()

        pltpu.sync_copy(rows_v.at[slot], out_hbm.at[pl.ds(base + i * CH, CH)])
        return nxt

    jax.lax.fori_loop(0, nit, body, 0, unroll=2)


def kernel(query, key, query_id, kv_id, emb):
    del query, key, kv_id
    vid = query_id[0:1, :]
    emb_t = jnp.swapaxes(emb, 0, 1)

    t_tab, idx3 = pl.pallas_call(
        _table_kernel,
        grid=(NUM_HEADS,),
        in_specs=[
            pl.BlockSpec((1, SEQ), lambda n: (0, 0)),
            pl.BlockSpec((1, NUM_VARS, EMB_DIM), lambda n: (n, 0, 0)),
        ],
        out_specs=[
            pl.BlockSpec((NUM_VARS, SEQ), lambda n: (n, 0)),
            pl.BlockSpec((1, 1, SEQ), lambda n: (n, 0, 0)),
        ],
        out_shape=[
            jax.ShapeDtypeStruct((NUM_HEADS * NUM_VARS, SEQ), jnp.float32),
            jax.ShapeDtypeStruct((NUM_HEADS, 1, SEQ), jnp.int32),
        ],
    )(vid, emb_t)
    idx = idx3.reshape(NUM_HEADS, SEQ)

    mesh = plsc.VectorSubcoreMesh(core_axis_name="c", subcore_axis_name="s")
    sc_expand = functools.partial(
        pl.kernel,
        out_type=jax.ShapeDtypeStruct((BS * NUM_HEADS * SEQ, SEQ), jnp.float32),
        mesh=mesh,
        scratch_types=[
            pltpu.VMEM((SEQ,), jnp.int32),
            pltpu.VMEM((2, CH, SEQ), jnp.float32),
            pltpu.SemaphoreType.DMA((2,)),
        ],
    )(_sc_expand_body)

    out_flat = sc_expand(idx, t_tab)
    return out_flat.reshape(BS, NUM_HEADS, SEQ, SEQ).reshape(
        BS, NUM_GROUPS, HPG, SEQ, SEQ)

# --- scband reference (transcript-rebuilt; emitter-appended) ---
"""Pipeline reference for scband-cross-variate-attention-bias-41764261986434 (READ-ONLY COPY).

The authoritative reference and input builder live on the scoring server;
editing this copy changes nothing except your own understanding.
"""

import jax, jax.numpy as jnp
import numpy as np

NUM_HEADS = 16
NUM_GROUPS = 4
HPG = NUM_HEADS // NUM_GROUPS
NUM_VARS = 16
DIM = 1024
EMB_DIM = DIM // 4


def setup_inputs(seed: int = 0) -> dict:
    key = jax.random.key(seed)
    k1, k2, k3, k4, k5 = jax.random.split(key, 5)
    bs, q_len, kv_len, head_dim = 2, 2048, 2048, DIM // NUM_HEADS
    query = jax.random.normal(k1, (bs, NUM_GROUPS, HPG, q_len, head_dim), dtype=jnp.float32)
    key_t = jax.random.normal(k2, (bs, NUM_GROUPS, HPG, kv_len, head_dim), dtype=jnp.float32)
    query_id = jax.random.randint(k3, (bs, q_len), 0, NUM_VARS, dtype=jnp.int64 if jax.config.jax_enable_x64 else jnp.int32).astype(jnp.int32)
    kv_id = jax.random.randint(k4, (bs, kv_len), 0, NUM_VARS, dtype=jnp.int32)
    # Stacked per-variate embedding tables: emb[i] is nn.Embedding(num_heads, dim//4).weight
    emb = jax.random.normal(k5, (NUM_VARS, NUM_HEADS, EMB_DIM), dtype=jnp.float32) * 0.02
    return {"query": query, "key": key_t, "query_id": query_id, "kv_id": kv_id, "emb": emb}


def reference(query, key, query_id, kv_id, emb):
    # Faithful translation of CrossVariateAttentionBias.forward.
    bs = query.shape[0]
    q_len = query.shape[-2]
    kv_len = kv_id.shape[-1]
    # get_token_index_by_variate uses query_id[0]; assigning emb[i].weight into
    # q_emb/kv_emb at the per-variate token indices is exactly a gather:
    vid = query_id[0]  # (q_len,)
    q_emb = jnp.take(emb, vid, axis=0)   # (q_len, num_heads, dim//4)
    kv_emb = jnp.take(emb, vid, axis=0)  # original uses the SAME indices for kv
    # einsum 'q_len n_heads dim, kv_len n_heads dim -> n_heads q_len kv_len'
    bias = jnp.einsum('qnd,knd->nqk', q_emb, kv_emb)
    # rearrange '(group hpg) q k -> bs group hpg q k' (broadcast over batch)
    bias = bias.reshape(NUM_GROUPS, HPG, q_len, kv_len)
    bias = jnp.broadcast_to(bias[None, ...], (bs, NUM_GROUPS, HPG, q_len, kv_len))
    return bias

if __name__ == "__main__":
    import jax
    _d = setup_inputs()
    print(jax.jit(kernel)(*tuple(_d.values())))

</pallas_src>

<mosaic_0001>
#map = affine_map<(d0, d1) -> (0, 0)>
module attributes {stable_mosaic.version = 14 : i64} {
  func.func @_sc_expand_body(%arg0: i32, %arg1: i32, %arg2: memref<16x2048xi32, #tpu.memory_space<hbm>>, %arg3: memref<256x2048xf32, #tpu.memory_space<hbm>>, %arg4: memref<65536x2048xf32, #tpu.memory_space<hbm>>, %arg5: memref<2048xi32, #tpu.memory_space<vmem>>, %arg6: memref<2x16x2048xf32, #tpu.memory_space<vmem>>, %arg7: memref<2x!tpu.dma_semaphore, #tpu.memory_space<semaphore_mem>>) attributes {dimension_semantics = [#tpu.dimension_semantics<core_parallel>, #tpu.dimension_semantics<subcore_parallel>], iteration_bounds = array<i64: 2, 16>, scalar_prefetch = 0 : i64, scratch_operands = 3 : i64, tpu.core_type = #tpu.core_type<sc_vector_subcore>, window_params = [{transform_indices = #map}, {transform_indices = #map}, {transform_indices = #map}]} {
    %mul3A = arith.constant 2 : i32
    %mul3A_0 = arith.muli %arg1, %mul3A : i32
    %add3A = arith.addi %mul3A_0, %arg0 : i32
    %rem3A = arith.constant 16 : i32
    %rem3A_1 = arith.remsi %add3A, %rem3A : i32
    %jit3A = arith.constant 16 : i32
    %div3A = arith.divsi %add3A, %jit3A : i32
    %sign3A = arith.constant 0 : i32
    %sign3A_2 = arith.cmpi sgt, %add3A, %sign3A : i32
    %sign3A_3 = arith.extui %sign3A_2 : i1 to i32
    %sign3A_4 = arith.constant 0 : i32
    %sign3A_5 = arith.cmpi slt, %add3A, %sign3A_4 : i32
    %sign3A_6 = arith.extui %sign3A_5 : i1 to i32
    %sign3A_7 = arith.subi %sign3A_3, %sign3A_6 : i32
    %sign3A_8 = arith.constant 0 : i32
    %sign3A_9 = arith.cmpi sgt, %jit3A, %sign3A_8 : i32
    %sign3A_10 = arith.extui %sign3A_9 : i1 to i32
    %sign3A_11 = arith.constant 0 : i32
    %sign3A_12 = arith.cmpi slt, %jit3A, %sign3A_11 : i32
    %sign3A_13 = arith.extui %sign3A_12 : i1 to i32
    %sign3A_14 = arith.subi %sign3A_10, %sign3A_13 : i32
    %ne3A = arith.cmpi ne, %sign3A_7, %sign3A_14 : i32
    %rem3A_15 = arith.remsi %add3A, %jit3A : i32
    %ne3A_16 = arith.constant 0 : i32
    %ne3A_17 = arith.cmpi ne, %rem3A_15, %ne3A_16 : i32
    %and3A = arith.andi %ne3A, %ne3A_17 : i1
    %sub3A = arith.constant 1 : i32
    %sub3A_18 = arith.subi %div3A, %sub3A : i32
    %select_n3A = arith.select %and3A, %sub3A_18, %div3A : i32
    %mul3A_19 = arith.constant 32768 : i32
    %mul3A_20 = arith.muli %select_n3A, %mul3A_19 : i32
    %mul3A_21 = arith.constant 2048 : i32
    %mul3A_22 = arith.muli %rem3A_1, %mul3A_21 : i32
    %add3A_23 = arith.addi %mul3A_20, %mul3A_22 : i32
    "tpu.region"() ({
      %run_scoped3A = tpu.sem_alloc : memref<!tpu.dma_semaphore, #tpu.memory_space<semaphore_mem>>
      %dma_start3A_42 = arith.constant 0 : i32
      %dma_start3A_43 = tpu.memref_slice %arg2[%rem3A_1, %dma_start3A_42] : memref<16x2048xi32, #tpu.memory_space<hbm>> -> memref<1x2048xi32, #tpu.memory_space<hbm>>
      %dma_start3A_44 = tpu.memref_squeeze %dma_start3A_43 : memref<1x2048xi32, #tpu.memory_space<hbm>> -> memref<2048xi32, #tpu.memory_space<hbm>>
      %dma_start3A_45 = arith.constant 0 : i32
      %dma_start3A_46 = tpu.memref_slice %arg2[%rem3A_1, %dma_start3A_45] : memref<16x2048xi32, #tpu.memory_space<hbm>> -> memref<1x2048xi32, #tpu.memory_space<hbm>>
      %dma_start3A_47 = tpu.memref_squeeze %dma_start3A_46 : memref<1x2048xi32, #tpu.memory_space<hbm>> -> memref<2048xi32, #tpu.memory_space<hbm>>
      tpu.enqueue_dma source(%dma_start3A_47 : memref<2048xi32, #tpu.memory_space<hbm>>) target(%arg5 : memref<2048xi32, #tpu.memory_space<vmem>>) target_semaphore(%run_scoped3A : memref<!tpu.dma_semaphore, #tpu.memory_space<semaphore_mem>>)
      %dma_wait3A = arith.constant 0 : i32
      %dma_wait3A_48 = tpu.memref_slice %arg2[%rem3A_1, %dma_wait3A] : memref<16x2048xi32, #tpu.memory_space<hbm>> -> memref<1x2048xi32, #tpu.memory_space<hbm>>
      %dma_wait3A_49 = tpu.memref_squeeze %dma_wait3A_48 : memref<1x2048xi32, #tpu.memory_space<hbm>> -> memref<2048xi32, #tpu.memory_space<hbm>>
      %dma_wait3A_50 = arith.constant 0 : i32
      %dma_wait3A_51 = tpu.memref_slice %arg2[%rem3A_1, %dma_wait3A_50] : memref<16x2048xi32, #tpu.memory_space<hbm>> -> memref<1x2048xi32, #tpu.memory_space<hbm>>
      %dma_wait3A_52 = tpu.memref_squeeze %dma_wait3A_51 : memref<1x2048xi32, #tpu.memory_space<hbm>> -> memref<2048xi32, #tpu.memory_space<hbm>>
      tpu.wait_dma2 semaphore(%run_scoped3A : memref<!tpu.dma_semaphore, #tpu.memory_space<semaphore_mem>>) src(%dma_wait3A_52 : memref<2048xi32, #tpu.memory_space<hbm>>) dst(%arg5 : memref<2048xi32, #tpu.memory_space<vmem>>)
      tpu.yield
    }) : () -> ()
    %dma_start3A = arith.constant 0 : i32
    %dma_start3A_24 = arith.constant 0 : i32
    %dma_start3A_25 = arith.constant 0 : i32
    %dma_start3A_26 = arith.constant 0 : i32
    %dma_start3A_27 = tpu.memref_slice %arg6[%dma_start3A, %dma_start3A_25, %dma_start3A_26] : memref<2x16x2048xf32, #tpu.memory_space<vmem>> -> memref<1x16x2048xf32, #tpu.memory_space<vmem>>
    %dma_start3A_28 = tpu.memref_squeeze %dma_start3A_27 : memref<1x16x2048xf32, #tpu.memory_space<vmem>> -> memref<16x2048xf32, #tpu.memory_space<vmem>>
    %dma_start3A_29 = arith.constant 0 : i32
    %dma_start3A_30 = tpu.memref_slice %arg5[%dma_start3A_29] : memref<2048xi32, #tpu.memory_space<vmem>> -> memref<16xi32, #tpu.memory_space<vmem>>
    %dma_start3A_31 = arith.constant 0 : i32
    %dma_start3A_32 = arith.constant 0 : i32
    %dma_start3A_33 = tpu.memref_slice %arg3[%dma_start3A_31, %dma_start3A_32] : memref<256x2048xf32, #tpu.memory_space<hbm>> -> memref<256x2048xf32, #tpu.memory_space<hbm>>
    %dma_start3A_34 = tpu.memref_slice %arg7[%dma_start3A_24] : memref<2x!tpu.dma_semaphore, #tpu.memory_space<semaphore_mem>> -> memref<1x!tpu.dma_semaphore, #tpu.memory_space<semaphore_mem>>
    %dma_start3A_35 = tpu.memref_squeeze %dma_start3A_34 : memref<1x!tpu.dma_semaphore, #tpu.memory_space<semaphore_mem>> -> memref<!tpu.dma_semaphore, #tpu.memory_space<semaphore_mem>>
    tpu.enqueue_indirect_dma source(%dma_start3A_33 : memref<256x2048xf32, #tpu.memory_space<hbm>>) target(%dma_start3A_28 : memref<16x2048xf32, #tpu.memory_space<vmem>>) offsets(%dma_start3A_30 : memref<16xi32, #tpu.memory_space<vmem>>) semaphore(%dma_start3A_35 : memref<!tpu.dma_semaphore, #tpu.memory_space<semaphore_mem>>)
    %scan3A = arith.constant 0 : i32
    %scan3A_36 = arith.constant 0 : i32
    %scan3A_37 = arith.constant 128 : i32
    %scan3A_38 = arith.addi %scan3A_36, %scan3A_37 : i32
    %scan3A_39 = arith.constant 2 : i32
    %scan3A_40 = scf.for %scan3A_42 = %scan3A_36 to %scan3A_38 step %scan3A_39 iter_args(%scan3A_43 = %scan3A) -> (i32)  : i32 {
      %mul3A_44 = arith.constant 16 : i32
      %mul3A_45 = arith.muli %scan3A_42, %mul3A_44 : i32
      %dma_wait3A = arith.constant 0 : i32
      %dma_wait3A_46 = arith.constant 0 : i32
      %dma_wait3A_47 = tpu.memref_slice %arg6[%scan3A_43, %dma_wait3A, %dma_wait3A_46] : memref<2x16x2048xf32, #tpu.memory_space<vmem>> -> memref<1x16x2048xf32, #tpu.memory_space<vmem>>
      %dma_wait3A_48 = tpu.memref_squeeze %dma_wait3A_47 : memref<1x16x2048xf32, #tpu.memory_space<vmem>> -> memref<16x2048xf32, #tpu.memory_space<vmem>>
      %dma_wait3A_49 = tpu.memref_slice %arg5[%mul3A_45] : memref<2048xi32, #tpu.memory_space<vmem>> -> memref<16xi32, #tpu.memory_space<vmem>>
      %dma_wait3A_50 = arith.constant 0 : i32
      %dma_wait3A_51 = arith.constant 0 : i32
      %dma_wait3A_52 = tpu.memref_slice %arg3[%dma_wait3A_50, %dma_wait3A_51] : memref<256x2048xf32, #tpu.memory_space<hbm>> -> memref<256x2048xf32, #tpu.memory_space<hbm>>
      %dma_wait3A_53 = tpu.memref_slice %arg7[%scan3A_43] : memref<2x!tpu.dma_semaphore, #tpu.memory_space<semaphore_mem>> -> memref<1x!tpu.dma_semaphore, #tpu.memory_space<semaphore_mem>>
      %dma_wait3A_54 = tpu.memref_squeeze %dma_wait3A_53 : memref<1x!tpu.dma_semaphore, #tpu.memory_space<semaphore_mem>> -> memref<!tpu.dma_semaphore, #tpu.memory_space<semaphore_mem>>
      tpu.wait_indirect_dma semaphore(%dma_wait3A_54 : memref<!tpu.dma_semaphore, #tpu.memory_space<semaphore_mem>>) src(%dma_wait3A_52 : memref<256x2048xf32, #tpu.memory_space<hbm>>) dst(%dma_wait3A_48 : memref<16x2048xf32, #tpu.memory_space<vmem>>)
      %sub3A_55 = arith.constant 1 : i32
      %sub3A_56 = arith.subi %sub3A_55, %scan3A_43 : i32
      %add3A_57 = arith.constant 1 : i32
      %add3A_58 = arith.addi %scan3A_42, %add3A_57 : i32
      %lt3A = arith.constant 128 : i32
      %lt3A_59 = arith.cmpi slt, %add3A_58, %lt3A : i32
      %convert_element_type3A = arith.extui %lt3A_59 : i1 to i32
      %cond3A = arith.constant 0 : i32
      %cond3A_60 = arith.cmpi ne, %convert_element_type3A, %cond3A : i32
      scf.if %cond3A_60 {
        %add3A_90 = arith.constant 1 : i32
        %add3A_91 = arith.addi %scan3A_42, %add3A_90 : i32
        %mul3A_92 = arith.constant 16 : i32
        %mul3A_93 = arith.muli %add3A_91, %mul3A_92 : i32
        %dma_start3A_94 = arith.constant 0 : i32
        %dma_start3A_95 = arith.constant 0 : i32
        %dma_start3A_96 = tpu.memref_slice %arg6[%sub3A_56, %dma_start3A_94, %dma_start3A_95] : memref<2x16x2048xf32, #tpu.memory_space<vmem>> -> memref<1x16x2048xf32, #tpu.memory_space<vmem>>
        %dma_start3A_97 = tpu.memref_squeeze %dma_start3A_96 : memref<1x16x2048xf32, #tpu.memory_space<vmem>> -> memref<16x2048xf32, #tpu.memory_space<vmem>>
        %dma_start3A_98 = tpu.memref_slice %arg5[%mul3A_93] : memref<2048xi32, #tpu.memory_space<vmem>> -> memref<16xi32, #tpu.memory_space<vmem>>
        %dma_start3A_99 = arith.constant 0 : i32
        %dma_start3A_100 = arith.constant 0 : i32
        %dma_start3A_101 = tpu.memref_slice %arg3[%dma_start3A_99, %dma_start3A_100] : memref<256x2048xf32, #tpu.memory_space<hbm>> -> memref<256x2048xf32, #tpu.memory_space<hbm>>
        %dma_start3A_102 = tpu.memref_slice %arg7[%sub3A_56] : memref<2x!tpu.dma_semaphore, #tpu.memory_space<semaphore_mem>> -> memref<1x!tpu.dma_semaphore, #tpu.memory_space<semaphore_mem>>
        %dma_start3A_103 = tpu.memref_squeeze %dma_start3A_102 : memref<1x!tpu.dma_semaphore, #tpu.memory_space<semaphore_mem>> -> memref<!tpu.dma_semaphore, #tpu.memory_space<semaphore_mem>>
        tpu.enqueue_indirect_dma source(%dma_start3A_101 : memref<256x2048xf32, #tpu.memory_space<hbm>>) target(%dma_start3A_97 : memref<16x2048xf32, #tpu.memory_space<vmem>>) offsets(%dma_start3A_98 : memref<16xi32, #tpu.memory_space<vmem>>) semaphore(%dma_start3A_103 : memref<!tpu.dma_semaphore, #tpu.memory_space<semaphore_mem>>)
      } else {
      }
      %mul3A_61 = arith.constant 16 : i32
      %mul3A_62 = arith.muli %scan3A_42, %mul3A_61 : i32
      %add3A_63 = arith.addi %add3A_23, %mul3A_62 : i32
      "tpu.region"() ({
        %run_scoped3A = tpu.sem_alloc : memref<!tpu.dma_semaphore, #tpu.memory_space<semaphore_mem>>
        %dma_start3A_90 = arith.constant 0 : i32
        %dma_start3A_91 = arith.constant 0 : i32
        %dma_start3A_92 = tpu.memref_slice %arg6[%scan3A_43, %dma_start3A_90, %dma_start3A_91] : memref<2x16x2048xf32, #tpu.memory_space<vmem>> -> memref<1x16x2048xf32, #tpu.memory_space<vmem>>
        %dma_start3A_93 = tpu.memref_squeeze %dma_start3A_92 : memref<1x16x2048xf32, #tpu.memory_space<vmem>> -> memref<16x2048xf32, #tpu.memory_space<vmem>>
        %dma_start3A_94 = arith.constant 0 : i32
        %dma_start3A_95 = tpu.memref_slice %arg4[%add3A_63, %dma_start3A_94] : memref<65536x2048xf32, #tpu.memory_space<hbm>> -> memref<16x2048xf32, #tpu.memory_space<hbm>>
        %dma_start3A_96 = arith.constant 0 : i32
        %dma_start3A_97 = tpu.memref_slice %arg4[%add3A_63, %dma_start3A_96] : memref<65536x2048xf32, #tpu.memory_space<hbm>> -> memref<16x2048xf32, #tpu.memory_space<hbm>>
        %dma_start3A_98 = arith.constant 0 : i32
        %dma_start3A_99 = arith.constant 0 : i32
        %dma_start3A_100 = tpu.memref_slice %arg6[%scan3A_43, %dma_start3A_98, %dma_start3A_99] : memref<2x16x2048xf32, #tpu.memory_space<vmem>> -> memref<1x16x2048xf32, #tpu.memory_space<vmem>>
        %dma_start3A_101 = tpu.memref_squeeze %dma_start3A_100 : memref<1x16x2048xf32, #tpu.memory_space<vmem>> -> memref<16x2048xf32, #tpu.memory_space<vmem>>
        tpu.enqueue_dma source(%dma_start3A_101 : memref<16x2048xf32, #tpu.memory_space<vmem>>) target(%dma_start3A_97 : memref<16x2048xf32, #tpu.memory_space<hbm>>) target_semaphore(%run_scoped3A : memref<!tpu.dma_semaphore, #tpu.memory_space<semaphore_mem>>)
        %dma_wait3A_102 = arith.constant 0 : i32
        %dma_wait3A_103 = arith.constant 0 : i32
        %dma_wait3A_104 = tpu.memref_slice %arg6[%scan3A_43, %dma_wait3A_102, %dma_wait3A_103] : memref<2x16x2048xf32, #tpu.memory_space<vmem>> -> memref<1x16x2048xf32, #tpu.memory_space<vmem>>
        %dma_wait3A_105 = tpu.memref_squeeze %dma_wait3A_104 : memref<1x16x2048xf32, #tpu.memory_space<vmem>> -> memref<16x2048xf32, #tpu.memory_space<vmem>>
        %dma_wait3A_106 = arith.constant 0 : i32
        %dma_wait3A_107 = tpu.memref_slice %arg4[%add3A_63, %dma_wait3A_106] : memref<65536x2048xf32, #tpu.memory_space<hbm>> -> memref<16x2048xf32, #tpu.memory_space<hbm>>
        %dma_wait3A_108 = arith.constant 0 : i32
        %dma_wait3A_109 = tpu.memref_slice %arg4[%add3A_63, %dma_wait3A_108] : memref<65536x2048xf32, #tpu.memory_space<hbm>> -> memref<16x2048xf32, #tpu.memory_space<hbm>>
        %dma_wait3A_110 = arith.constant 0 : i32
        %dma_wait3A_111 = arith.constant 0 : i32
        %dma_wait3A_112 = tpu.memref_slice %arg6[%scan3A_43, %dma_wait3A_110, %dma_wait3A_111] : memref<2x16x2048xf32, #tpu.memory_space<vmem>> -> memref<1x16x2048xf32, #tpu.memory_space<vmem>>
        %dma_wait3A_113 = tpu.memref_squeeze %dma_wait3A_112 : memref<1x16x2048xf32, #tpu.memory_space<vmem>> -> memref<16x2048xf32, #tpu.memory_space<vmem>>
        tpu.wait_dma2 semaphore(%run_scoped3A : memref<!tpu.dma_semaphore, #tpu.memory_space<semaphore_mem>>) src(%dma_wait3A_113 : memref<16x2048xf32, #tpu.memory_space<vmem>>) dst(%dma_wait3A_109 : memref<16x2048xf32, #tpu.memory_space<hbm>>)
        tpu.yield
      }) : () -> ()
      %scan3A_64 = arith.constant 1 : i32
      %scan3A_65 = arith.addi %scan3A_42, %scan3A_64 : i32
      %mul3A_66 = arith.constant 16 : i32
      %mul3A_67 = arith.muli %scan3A_65, %mul3A_66 : i32
      %dma_wait3A_68 = arith.constant 0 : i32
      %dma_wait3A_69 = arith.constant 0 : i32
      %dma_wait3A_70 = tpu.memref_slice %arg6[%sub3A_56, %dma_wait3A_68, %dma_wait3A_69] : memref<2x16x2048xf32, #tpu.memory_space<vmem>> -> memref<1x16x2048xf32, #tpu.memory_space<vmem>>
      %dma_wait3A_71 = tpu.memref_squeeze %dma_wait3A_70 : memref<1x16x2048xf32, #tpu.memory_space<vmem>> -> memref<16x2048xf32, #tpu.memory_space<vmem>>
      %dma_wait3A_72 = tpu.memref_slice %arg5[%mul3A_67] : memref<2048xi32, #tpu.memory_space<vmem>> -> memref<16xi32, #tpu.memory_space<vmem>>
      %dma_wait3A_73 = arith.constant 0 : i32
      %dma_wait3A_74 = arith.constant 0 : i32
      %dma_wait3A_75 = tpu.memref_slice %arg3[%dma_wait3A_73, %dma_wait3A_74] : memref<256x2048xf32, #tpu.memory_space<hbm>> -> memref<256x2048xf32, #tpu.memory_space<hbm>>
      %dma_wait3A_76 = tpu.memref_slice %arg7[%sub3A_56] : memref<2x!tpu.dma_semaphore, #tpu.memory_space<semaphore_mem>> -> memref<1x!tpu.dma_semaphore, #tpu.memory_space<semaphore_mem>>
      %dma_wait3A_77 = tpu.memref_squeeze %dma_wait3A_76 : memref<1x!tpu.dma_semaphore, #tpu.memory_space<semaphore_mem>> -> memref<!tpu.dma_semaphore, #tpu.memory_space<semaphore_mem>>
      tpu.wait_indirect_dma semaphore(%dma_wait3A_77 : memref<!tpu.dma_semaphore, #tpu.memory_space<semaphore_mem>>) src(%dma_wait3A_75 : memref<256x2048xf32, #tpu.memory_space<hbm>>) dst(%dma_wait3A_71 : memref<16x2048xf32, #tpu.memory_space<vmem>>)
      %sub3A_78 = arith.constant 1 : i32
      %sub3A_79 = arith.subi %sub3A_78, %sub3A_56 : i32
      %add3A_80 = arith.constant 1 : i32
      %add3A_81 = arith.addi %scan3A_65, %add3A_80 : i32
      %lt3A_82 = arith.constant 128 : i32
      %lt3A_83 = arith.cmpi slt, %add3A_81, %lt3A_82 : i32
      %convert_element_type3A_84 = arith.extui %lt3A_83 : i1 to i32
      %cond3A_85 = arith.constant 0 : i32
      %cond3A_86 = arith.cmpi ne, %convert_element_type3A_84, %cond3A_85 : i32
      scf.if %cond3A_86 {
        %add3A_90 = arith.constant 1 : i32
        %add3A_91 = arith.addi %scan3A_65, %add3A_90 : i32
        %mul3A_92 = arith.constant 16 : i32
        %mul3A_93 = arith.muli %add3A_91, %mul3A_92 : i32
        %dma_start3A_94 = arith.constant 0 : i32
        %dma_start3A_95 = arith.constant 0 : i32
        %dma_start3A_96 = tpu.memref_slice %arg6[%sub3A_79, %dma_start3A_94, %dma_start3A_95] : memref<2x16x2048xf32, #tpu.memory_space<vmem>> -> memref<1x16x2048xf32, #tpu.memory_space<vmem>>
        %dma_start3A_97 = tpu.memref_squeeze %dma_start3A_96 : memref<1x16x2048xf32, #tpu.memory_space<vmem>> -> memref<16x2048xf32, #tpu.memory_space<vmem>>
        %dma_start3A_98 = tpu.memref_slice %arg5[%mul3A_93] : memref<2048xi32, #tpu.memory_space<vmem>> -> memref<16xi32, #tpu.memory_space<vmem>>
        %dma_start3A_99 = arith.constant 0 : i32
        %dma_start3A_100 = arith.constant 0 : i32
        %dma_start3A_101 = tpu.memref_slice %arg3[%dma_start3A_99, %dma_start3A_100] : memref<256x2048xf32, #tpu.memory_space<hbm>> -> memref<256x2048xf32, #tpu.memory_space<hbm>>
        %dma_start3A_102 = tpu.memref_slice %arg7[%sub3A_79] : memref<2x!tpu.dma_semaphore, #tpu.memory_space<semaphore_mem>> -> memref<1x!tpu.dma_semaphore, #tpu.memory_space<semaphore_mem>>
        %dma_start3A_103 = tpu.memref_squeeze %dma_start3A_102 : memref<1x!tpu.dma_semaphore, #tpu.memory_space<semaphore_mem>> -> memref<!tpu.dma_semaphore, #tpu.memory_space<semaphore_mem>>
        tpu.enqueue_indirect_dma source(%dma_start3A_101 : memref<256x2048xf32, #tpu.memory_space<hbm>>) target(%dma_start3A_97 : memref<16x2048xf32, #tpu.memory_space<vmem>>) offsets(%dma_start3A_98 : memref<16xi32, #tpu.memory_space<vmem>>) semaphore(%dma_start3A_103 : memref<!tpu.dma_semaphore, #tpu.memory_space<semaphore_mem>>)
      } else {
      }
      %mul3A_87 = arith.constant 16 : i32
      %mul3A_88 = arith.muli %scan3A_65, %mul3A_87 : i32
      %add3A_89 = arith.addi %add3A_23, %mul3A_88 : i32
      "tpu.region"() ({
        %run_scoped3A = tpu.sem_alloc : memref<!tpu.dma_semaphore, #tpu.memory_space<semaphore_mem>>
        %dma_start3A_90 = arith.constant 0 : i32
        %dma_start3A_91 = arith.constant 0 : i32
        %dma_start3A_92 = tpu.memref_slice %arg6[%sub3A_56, %dma_start3A_90, %dma_start3A_91] : memref<2x16x2048xf32, #tpu.memory_space<vmem>> -> memref<1x16x2048xf32, #tpu.memory_space<vmem>>
        %dma_start3A_93 = tpu.memref_squeeze %dma_start3A_92 : memref<1x16x2048xf32, #tpu.memory_space<vmem>> -> memref<16x2048xf32, #tpu.memory_space<vmem>>
        %dma_start3A_94 = arith.constant 0 : i32
        %dma_start3A_95 = tpu.memref_slice %arg4[%add3A_89, %dma_start3A_94] : memref<65536x2048xf32, #tpu.memory_space<hbm>> -> memref<16x2048xf32, #tpu.memory_space<hbm>>
        %dma_start3A_96 = arith.constant 0 : i32
        %dma_start3A_97 = tpu.memref_slice %arg4[%add3A_89, %dma_start3A_96] : memref<65536x2048xf32, #tpu.memory_space<hbm>> -> memref<16x2048xf32, #tpu.memory_space<hbm>>
        %dma_start3A_98 = arith.constant 0 : i32
        %dma_start3A_99 = arith.constant 0 : i32
        %dma_start3A_100 = tpu.memref_slice %arg6[%sub3A_56, %dma_start3A_98, %dma_start3A_99] : memref<2x16x2048xf32, #tpu.memory_space<vmem>> -> memref<1x16x2048xf32, #tpu.memory_space<vmem>>
        %dma_start3A_101 = tpu.memref_squeeze %dma_start3A_100 : memref<1x16x2048xf32, #tpu.memory_space<vmem>> -> memref<16x2048xf32, #tpu.memory_space<vmem>>
        tpu.enqueue_dma source(%dma_start3A_101 : memref<16x2048xf32, #tpu.memory_space<vmem>>) target(%dma_start3A_97 : memref<16x2048xf32, #tpu.memory_space<hbm>>) target_semaphore(%run_scoped3A : memref<!tpu.dma_semaphore, #tpu.memory_space<semaphore_mem>>)
        %dma_wait3A_102 = arith.constant 0 : i32
        %dma_wait3A_103 = arith.constant 0 : i32
        %dma_wait3A_104 = tpu.memref_slice %arg6[%sub3A_56, %dma_wait3A_102, %dma_wait3A_103] : memref<2x16x2048xf32, #tpu.memory_space<vmem>> -> memref<1x16x2048xf32, #tpu.memory_space<vmem>>
        %dma_wait3A_105 = tpu.memref_squeeze %dma_wait3A_104 : memref<1x16x2048xf32, #tpu.memory_space<vmem>> -> memref<16x2048xf32, #tpu.memory_space<vmem>>
        %dma_wait3A_106 = arith.constant 0 : i32
        %dma_wait3A_107 = tpu.memref_slice %arg4[%add3A_89, %dma_wait3A_106] : memref<65536x2048xf32, #tpu.memory_space<hbm>> -> memref<16x2048xf32, #tpu.memory_space<hbm>>
        %dma_wait3A_108 = arith.constant 0 : i32
        %dma_wait3A_109 = tpu.memref_slice %arg4[%add3A_89, %dma_wait3A_108] : memref<65536x2048xf32, #tpu.memory_space<hbm>> -> memref<16x2048xf32, #tpu.memory_space<hbm>>
        %dma_wait3A_110 = arith.constant 0 : i32
        %dma_wait3A_111 = arith.constant 0 : i32
        %dma_wait3A_112 = tpu.memref_slice %arg6[%sub3A_56, %dma_wait3A_110, %dma_wait3A_111] : memref<2x16x2048xf32, #tpu.memory_space<vmem>> -> memref<1x16x2048xf32, #tpu.memory_space<vmem>>
        %dma_wait3A_113 = tpu.memref_squeeze %dma_wait3A_112 : memref<1x16x2048xf32, #tpu.memory_space<vmem>> -> memref<16x2048xf32, #tpu.memory_space<vmem>>
        tpu.wait_dma2 semaphore(%run_scoped3A : memref<!tpu.dma_semaphore, #tpu.memory_space<semaphore_mem>>) src(%dma_wait3A_113 : memref<16x2048xf32, #tpu.memory_space<vmem>>) dst(%dma_wait3A_109 : memref<16x2048xf32, #tpu.memory_space<hbm>>)
        tpu.yield
      }) : () -> ()
      scf.yield %sub3A_79 : i32
    }
    %scan3A_41 = arith.constant 128 : i32
    return
  }
}

module attributes {stable_mosaic.version = 14 : i64} {
  func.func @_table_kernel(%arg0: i32, %arg1: memref<1x2048xi32, #tpu.memory_space<vmem>>, %arg2: memref<1x16x256xf32, #tpu.memory_space<vmem>>, %arg3: memref<16x2048xf32, #tpu.memory_space<vmem>>, %arg4: memref<1x1x2048xi32, #tpu.memory_space<vmem>>) attributes {dimension_semantics = [#tpu.dimension_semantics<arbitrary>], iteration_bounds = array<i64: 16>, scalar_prefetch = 0 : i64, scratch_operands = 0 : i64, tpu.core_type = #tpu.core_type<tc>, window_params = [{pipeline_mode = #tpu.pipeline_mode<synchronous>, transform_indices = @transform_0, window_bounds = array<i64: 1, 2048>}, {transform_indices = @transform_1, window_bounds = array<i64: 1, 16, 256>}, {transform_indices = @transform_2, window_bounds = array<i64: 16, 2048>}, {transform_indices = @transform_3, window_bounds = array<i64: 1, 1, 2048>}]} {
    %get3A = arith.constant 0 : index
    %get3A_0 = arith.constant 0 : index
    %get3A_1 = arith.constant 0 : index
    %get3A_2 = vector.load %arg2[%get3A, %get3A_0, %get3A_1] : memref<1x16x256xf32, #tpu.memory_space<vmem>>, vector<1x16x256xf32>
    %get3A_3 = vector.shape_cast %get3A_2 : vector<1x16x256xf32> to vector<16x256xf32>
    %dot_general3A = arith.constant dense<0.000000e+00> : vector<16x16xf32>
    %dot_general3A_4 = tpu.matmul %get3A_3, %get3A_3, %dot_general3A {dimension_numbers = #tpu.dot_dimension_numbers<[1], [1], [0], [0], [0, 0, 1, 0], [], []>, precision = #tpu.contract_precision<fp32>, transpose_lhs_hint = false} : vector<16x256xf32>, vector<16x256xf32>, vector<16x16xf32> -> vector<16x16xf32>
    %get3A_5 = arith.constant 0 : index
    %get3A_6 = arith.constant 0 : index
    %get3A_7 = vector.load %arg1[%get3A_5, %get3A_6] : memref<1x2048xi32, #tpu.memory_space<vmem>>, vector<1x2048xi32>
    %iota3A = tpu.iota {dimensions = array<i32: 0>} : vector<16x2048xi32>
    %eq3A = vector.broadcast %get3A_7 : vector<1x2048xi32> to vector<16x2048xi32>
    %eq3A_8 = arith.cmpi eq, %eq3A, %iota3A : vector<16x2048xi32>
    %convert_element_type3A = arith.extui %eq3A_8 : vector<16x2048xi1> to vector<16x2048xi32>
    %convert_element_type3A_9 = arith.sitofp %convert_element_type3A : vector<16x2048xi32> to vector<16x2048xf32>
    %dot_general3A_10 = arith.constant dense<0.000000e+00> : vector<16x2048xf32>
    %dot_general3A_11 = tpu.matmul %dot_general3A_4, %convert_element_type3A_9, %dot_general3A_10 {dimension_numbers = #tpu.dot_dimension_numbers<[1], [0], [0], [1], [0, 0, 1, 1], [], []>, transpose_lhs_hint = false} : vector<16x16xf32>, vector<16x2048xf32>, vector<16x2048xf32> -> vector<16x2048xf32>
    %swap3A = arith.constant 0 : index
    %swap3A_12 = arith.constant 0 : index
    %swap3A_13 = vector.load %arg3[%swap3A, %swap3A_12] : memref<16x2048xf32, #tpu.memory_space<vmem>>, vector<16x2048xf32>
    tpu.vector_store %arg3[%swap3A, %swap3A_12], %dot_general3A_11 {strides = array<i32>} : memref<16x2048xf32, #tpu.memory_space<vmem>>, vector<16x2048xf32>,
    %mul3A = arith.constant 16 : i32
    %mul3A_14 = arith.muli %arg0, %mul3A : i32
    %add3A = vector.broadcast %mul3A_14 : i32 to vector<1x2048xi32>
    %add3A_15 = arith.addi %get3A_7, %add3A : vector<1x2048xi32>
    %broadcast_in_dim3A = vector.shape_cast %add3A_15 : vector<1x2048xi32> to vector<1x1x2048xi32>
    %swap3A_16 = arith.constant 0 : index
    %swap3A_17 = arith.constant 0 : index
    %swap3A_18 = arith.constant 0 : index
    %swap3A_19 = vector.load %arg4[%swap3A_16, %swap3A_17, %swap3A_18] : memref<1x1x2048xi32, #tpu.memory_space<vmem>>, vector<1x1x2048xi32>
    tpu.vector_store %arg4[%swap3A_16, %swap3A_17, %swap3A_18], %broadcast_in_dim3A {strides = array<i32>} : memref<1x1x2048xi32, #tpu.memory_space<vmem>>, vector<1x1x2048xi32>,
    return
  }
  func.func @transform_0(%arg0: i32) -> (i32, i32) {
    %c0_i32 = arith.constant 0 : i32
    %c0_i32_0 = arith.constant 0 : i32
    %c0_i32_1 = arith.constant 0 : i32
    return %c0_i32, %c0_i32_0 : i32, i32
  }
  func.func @transform_1(%arg0: i32) -> (i32, i32, i32) {
    %c0_i32 = arith.constant 0 : i32
    %c0_i32_0 = arith.constant 0 : i32
    %c0_i32_1 = arith.constant 0 : i32
    return %arg0, %c0_i32, %c0_i32_0 : i32, i32, i32
  }
  func.func @transform_2(%arg0: i32) -> (i32, i32) {
    %c0_i32 = arith.constant 0 : i32
    %c0_i32_0 = arith.constant 0 : i32
    return %arg0, %c0_i32 : i32, i32
  }
  func.func @transform_3(%arg0: i32) -> (i32, i32, i32) {
    %c0_i32 = arith.constant 0 : i32
    %c0_i32_0 = arith.constant 0 : i32
    %c0_i32_1 = arith.constant 0 : i32
    return %arg0, %c0_i32, %c0_i32_0 : i32, i32, i32
  }
}

</mosaic_0001>

<sc_bundles>
// kernel: kernel.4.cloned.1.call-start
scs
__scs_entry_jumppad:
0x0: {  	(pc) =	sbr.rel $0x88, $3  }
0x1: {  	(tag) =	ssettag $0x0;
	lr =	simm.s32 $0x1  }
0x2: {  	[smem:$0x3F9F] =	sst lr;
	_ =	strace $0xD0000000  }
0x3: {  	_ = 	snop  }
0x4: {  	_ = 	snop  }
0x5: {  	_ = 	snop  }
0x6: {  	_ = 	snop  }
0x7: {  	_ = 	snop  }
__scs_overlays_trampoline_lowered:
0x8: {  	[smem:$0x3FAE] =	sst s0  }
0x9: {  	[smem:$0x3FAF] =	sst s1  }
0xa: {  	[smem:$0x3FB0] =	sst s2  }
0xb: {  	[smem:$0x3FB1] =	sst s3  }
0xc: {  	[smem:$0x3FB2] =	sst s4  }
0xd: {  	[smem:$0x3FB3] =	sst s5  }
0xe: {  	[smem:$0x3FB4] =	sst s6  }
0xf: {  	[smem:$0x3FB5] =	sst s7  }
0x10: {  	[smem:$0x3FB6] =	sst s8  }
0x11: {  	[smem:$0x3FB7] =	sst s9;
	s0 =	simm.s32 @!p0 $0x0  }
0x12: {  	s1 =	sld [smem:$0x3F9D];
	s0 =	simm.s32 @p0 $0x1  }
0x13: {  	[smem:$0x3FB8] =	sst s0;
	s0 =	simm.s32 @!p1 $0x0  }
0x14: {  	s2 =	sld [smem:$0x3F9C];
	s0 =	simm.s32 @p1 $0x1  }
0x15: {  	[smem:$0x3FB9] =	sst s0;
	s0 =	simm.s32 @!p2 $0x0  }
0x16: {  	s3 =	sld [smem:$0x3FDB];
	s0 =	simm.s32 @p2 $0x1  }
0x17: {  	s4 =	simm.s32 $0x1BF5;
	[smem:$0x3FBB] =	sst s0  }
0x18: {  	s0 =	sld [smem:$0x3F9E];
	_ =	swait.ge [sflag:s4], $0x0  }
0x19: {  	s7 =	sld [smem:$0x3F9F]  }
0x1a: {  	s8 =	sadd.s32 $0xFFFFE003, lr  }
0x1b: {  	s9 =	sadd.s32 $0xFFFFFEF7, lr;
	s5 =	simm.s32 $0xFFFFFFFF;
	p2 =	slt.u32 s8, $0xFFFFF086  }
0x1c: {  	p1 =	slt.u32 s9, $0xF7A;
	s5 =	simm.s32 @!p2 $0x0  }
0x1d: {  	s5 =	simm.s32 @p1 $0x1;
	p0 =	seq.s32 s7, s2  }
0x1e: {  	s7 =	smul.u32 @!p0 $0xF7A, s2;
	p2 =	seq.s32 @!p0 s5, $0x0  }
0x1f: {  	s9 =	smul.u32 $0xF7A, s1;
	s8 =	simm.s32 @!p0 $0x1BF5;
	p2 =	por !p2, p0  }
0x20: {  	[sflag:s8] =	ssyncset.s32 @!p0 $0xFFFFF086;
	s6 =	sadd.s32 @!p0 s3, s7;
	s7 =	simm.s32 @!p0 $0x108  }
0x21: {  	s3 =	sadd.s32 s3, s9;
	s6 =	sadd.s32 @!p0 $0x88, s6;
	s7 =	simm.s32 @p2 $0x1082  }
0x22: {  	[simem:s7], [sflag:s8] =	dma.local @!p0 [hbm:s6], $0xF7A  }
0x23: {  	s9 =	sor.u32 $0xD0000000, s2;
	s6 =	simm.s32 $0x108;
	_ =	swait.ge @!p0 [sflag:s8], $0x0  }
0x24: {  	s3 =	sadd.s32 $0x88, s3;
	s6 =	simm.s32 @!p1 $0x1082;
	[sflag:s4] =	ssyncset.s32 $0xFFFFF086  }
0x25: {  	[simem:s6], [sflag:s4] =	dma.local [hbm:s3], $0xF7A  }
0x26: {  	[smem:$0x3F9F] =	sst s1;
	(tag) =	ssettag s2;
	_ =	strace s9  }
0x27: {  	s1 =	sld [smem:$0x3FAF]  }
0x28: {  	s2 =	sld [smem:$0x3FB0]  }
0x29: {  	s4 =	sld [smem:$0x3FB2]  }
0x2a: {  	p0 =	seq.s32 s5, $0x0;
	s5 =	sld [smem:$0x3FB3]  }
0x2b: {  	s6 =	sld [smem:$0x3FB4]  }
0x2c: {  	s7 =	sld [smem:$0x3FB5]  }
0x2d: {  	s3 =	simm.s32 $0x108;
	s8 =	sld [smem:$0x3FB6]  }
0x2e: {  	s3 =	simm.s32 @!p0 $0x1082;
	s9 =	sld [smem:$0x3FB7]  }
0x2f: {  	lr =	sadd.s32 s0, s3;
	s0 =	sld [smem:$0x3FAE]  }
0x30: {  	s3 =	sld [smem:$0x3FB1]  }
0x31: {  	[smem:$0x3FBA] =	sst s10  }
0x32: {  	s10 =	sld [smem:$0x3FB8];
	_ =	sdelay $0x3  }
0x33: {  	p0 =	seq.s32 s10, $0x1;
	s10 =	sld [smem:$0x3FBA];
	_ =	sdelay $0x3  }
0x34: {  	[smem:$0x3FBA] =	sst s10  }
0x35: {  	s10 =	sld [smem:$0x3FB9];
	_ =	sdelay $0x3  }
0x36: {  	p1 =	seq.s32 s10, $0x1;
	s10 =	sld [smem:$0x3FBA];
	_ =	sdelay $0x3  }
0x37: {  	[smem:$0x3FBA] =	sst s10  }
0x38: {  	s10 =	sld [smem:$0x3FBB]  }
0x39: {  	_ = 	snop;
	(pc) =	sbr.ind lr, $3  }
0x3a: {  	_ = 	snop  }
0x3b: {  	_ = 	snop  }
0x3c: {  	p2 =	seq.s32 s10, $0x1;
	s10 =	sld [smem:$0x3FBA]  }
0x3d: {  	_ =	shalt  }
0x3e: {  	_ =	shalt  }
0x3f: {  	_ =	shalt  }
0x40: {  	_ =	shalt  }
0x41: {  	_ =	shalt  }
0x42: {  	_ =	shalt  }
0x43: {  	_ =	shalt  }
0x44: {  	_ =	shalt  }
0x45: {  	_ =	shalt  }
0x46: {  	_ =	shalt  }
0x47: {  	_ =	shalt  }
0x48: {  	_ =	shalt  }
0x49: {  	_ =	shalt  }
0x4a: {  	_ =	shalt  }
0x4b: {  	_ =	shalt  }
0x4c: {  	_ =	shalt  }
0x4d: {  	_ =	shalt  }
0x4e: {  	_ =	shalt  }
0x4f: {  	_ =	shalt  }
0x50: {  	_ =	shalt  }
0x51: {  	_ =	shalt  }
0x52: {  	_ =	shalt  }
0x53: {  	_ =	shalt  }
0x54: {  	_ =	shalt  }
0x55: {  	_ =	shalt  }
0x56: {  	_ =	shalt  }
0x57: {  	_ =	shalt  }
0x58: {  	_ =	shalt  }
0x59: {  	_ =	shalt  }
0x5a: {  	_ =	shalt  }
0x5b: {  	_ =	shalt  }
0x5c: {  	_ =	shalt  }
0x5d: {  	_ =	shalt  }
0x5e: {  	_ =	shalt  }
0x5f: {  	_ =	shalt  }
0x60: {  	_ =	shalt  }
0x61: {  	_ =	shalt  }
0x62: {  	_ =	shalt  }
0x63: {  	_ =	shalt  }
0x64: {  	_ =	shalt  }
0x65: {  	_ =	shalt  }
0x66: {  	_ =	shalt  }
0x67: {  	_ =	shalt  }
0x68: {  	_ =	shalt  }
0x69: {  	_ =	shalt  }
0x6a: {  	_ =	shalt  }
0x6b: {  	_ =	shalt  }
0x6c: {  	_ =	shalt  }
0x6d: {  	_ =	shalt  }
0x6e: {  	_ =	shalt  }
0x6f: {  	_ =	shalt  }
0x70: {  	_ =	shalt  }
0x71: {  	_ =	shalt  }
0x72: {  	_ =	shalt  }
0x73: {  	_ =	shalt  }
0x74: {  	_ =	shalt  }
0x75: {  	_ =	shalt  }
0x76: {  	_ =	shalt  }
0x77: {  	_ =	shalt  }
0x78: {  	_ =	shalt  }
0x79: {  	_ =	shalt  }
0x7a: {  	_ =	shalt  }
0x7b: {  	_ =	shalt  }
0x7c: {  	_ =	shalt  }
0x7d: {  	_ =	shalt  }
0x7e: {  	_ =	shalt  }
0x7f: {  	_ =	shalt  }
0x80: {  	_ =	shalt  }
0x81: {  	_ =	shalt  }
0x82: {  	_ =	shalt  }
0x83: {  	_ =	shalt  }
0x84: {  	_ =	shalt  }
0x85: {  	_ =	shalt  }
0x86: {  	_ =	shalt  }
0x87: {  	_ =	shalt  }
.Lfunc_end0:
.L_simem_size_0:
called_computation_lowered:
.L_overlay_start_0:
0x88: {  	s2 =	sld [smem:$0x3FD9]  }
0x89: {  	s3 =	sld [smem:$0x3FFE];
	_ =	sdelay $0x1  }
0x8a: {  	s1 =	srdreg.scid  }
0x8b: {  	s0 =	sand.u32 $0x1, s1  }
0x8c: {  	s17 =	sshll.u32 s0, $0xA;
	s2 =	sadd.s32 s3, s2  }
0x8d: {  	s2 =	sadd.s32 s2, s17  }
0x8e: {  	[smem:$0x3FC6] =	sst s2  }
0x8f: {  	_ = 	snop  }
0x90: {  	s2 =	sld [smem:$0x3FD0];
	(tm) =	ssettm $0x1  }
0x91: {  	s18 =	sld [smem:$0x3FFB];
	_ =	sdelay $0x3  }
0x92: {  	_ =	strace s18  }
0x93: {  	s3 =	sld [smem:$0x3FFC];
	_ =	sdelay $0x3  }
0x94: {  	_ =	strace s3  }
0x95: {  	s3 =	sld [smem:$0x3FFD];
	_ =	sdelay $0x3  }
0x96: {  	_ =	strace s3  }
0x97: {  	_ =	strace $0x8FFFFFFF  }
0x98: {  	s19 =	sld [smem:$0x3FDB];
	_ =	sdelay $0x1  }
0x99: {  	s4 =	simm.s32 $_scs_section_size  }
0x9a: {  	s5 =	simm.s32 $_size__tile_overlayer_lowered;
	s6 =	simm.s32 $_tile_overlayer_lowered  }
0x9b: {  	s22 =	simm.s32 $0x1BFF;
	s21 =	sshll.u32 s6, $0x1;
	s3 =	sadd.s32 s4, s19  }
0x9c: {  	s7 =	simm.s32 $0x0;
	s20 =	sshll.u32 s5, $0x1;
	s5 =	sadd.s32 s21, s3  }
0x9d: {  	[timem:s7], [sflag:s22] =	dma.local [hbm:s5], s20  }
0x9e: {  	_ =	swait.ge [sflag:s22], s20  }
0x9f: {  	s4 =	ssub.s32 $0x0, s20;
	[sflag:s22] =	ssyncset.done $0x0  }
0xa0: {  	[sflag:s22] =	ssyncadd.s32 s4;
	_ =	sdelay $0x1  }
0xa1: {  	s23 =	simm.s32 $0x1B8B  }
0xa2: {  	_ =	swait.ge [sflag:s23], $0x1  }
0xa3: {  	[sflag:s23] =	ssyncset.done $0x0  }
0xa4: {  	s25 =	simm.s32 $0x1B8E;
	s24 =	sld [smem:$0x3FFE];
	[sflag:s23] =	ssyncadd.s32 $0xFFFFFFFF  }
0xa5: {  	s26 =	simm.s32 $execute0_lowered;
	[smem:$0x3FD2] =	sst s25  }
0xa6: {  	s5 =	sshll.u32 s26, $0x1;
	_ =	strace $0x80000046;
	[dreg:$0x1] =	wrdreg $0xFFFFFFFF  }
0xa7: {  	s28 =	simm.s32 $_size_execute0_lowered;
	s3 =	sadd.s32 s3, s5;
	[dreg:$0x0] =	wrdreg $0x0  }
0xa8: {  	s5 =	sshll.u32 s28, $0x1;
	[dreg:$0x2] =	wrdreg s3  }
0xa9: {  	[dreg:$0x3] =	wrdreg s5  }
0xaa: {  	[dreg:$0x4] =	wrdreg $0xC0  }
0xab: {  	_ =	task [dreg:s7], $0x5FFFF  }
0xac: {  	[dreg:$0x1] =	wrdreg $0xFFFFFFFF  }
0xad: {  	[dreg:$0x0] =	wrdreg $0x60  }
0xae: {  	[dreg:$0x2] =	wrdreg s24  }
0xaf: {  	[dreg:$0x3] =	wrdreg s2  }
0xb0: {  	[dreg:$0x4] =	wrdreg $0x9  }
0xb1: {  	_ =	task.clear_ibuf [dreg:s7], $0x5FFFF;
	_ =	strace $0x90000046  }
0xb2: {  	s29 =	simm.s32 $0x9;
	_ =	strace $0x80000048  }
0xb3: {  	_ =	swait.ge [sflag:s29], $0x1  }
0xb4: {  	[sflag:s29] =	ssyncadd.s32 $0xFFFFFFFF  }
0xb5: {  	_ =	strace $0x90000048  }
0xb6: {  	_ =	sfence  }
0xb7: {  	s30 =	sld [smem:$0x0];
	_ =	sdelay $0x2  }
0xb8: {  	s31 =	sshll.u32 s1, $0xD;
	s1 =	sshrl.u32 s1, $0x2  }
0xb9: {  	s3 =	sand.u32 $0x4000, s31;
	s1 =	sadd.s32 s1, s30  }
0xba: {  	s0 =	sor.u32 s3, s0;
	s1 =	sshll.u32 s1, $0x11  }
0xbb: {  	s0 =	sor.u32 s1, s0  }
0xbc: {  	s0 =	sadd.s32 $0x8F2B, s0  }
0xbd: {  	[sflag:s0] =	ssyncadd.remote.s32 $0x1  }
0xbe: {  	_ =	sfence.sel $0xFFFF  }
0xbf: {  	[dreg:$0x0] =	wrdreg $0xFFFFFFFF;
	(pc) =	sbr.abs _section_cstart, $3  }
0xc0: {  	[dreg:$0x1] =	wrdreg $0xFFFFFFFF  }
0xc1: {  	_ =	task.clear_ibuf [dreg:s7], $0x2FFFF;
	_ =	strace $0x9FFFFFFF  }
0xc2: {  	(tm) =	ssettm $0x7FFFFFFF  }
0xc3: {  	_ =	shalt  }
tec
execute0_lowered:
.L_overlay_start_1:
0x0: {  	(tag) =	ssettag $0x1  }
0x1: {  	s0 =	rddreg [dreg:$0x0]  }
0x2: {  	s1 =	rddreg [dreg:$0x1];
	s2 =	simm.s32 $0x0  }
0x3: {  	s11 =	stileid.u32;
	s3 =	srdreg.scid;
	s16 =	simm.s32 $0x3  }
0x4: {  	s17 =	simm.s32 $0x800;
	s15 =	simm.s32 $0x8800;
	s28 =	simm.s32 $0xF000  }
0x5: {  	s29 =	simm.s32 $0xF800;
	s30 =	simm.s32 $0x10000;
	s31 =	simm.s32 $0x2  }
0x6: {  	[smem:$0x7FF] =	sst s2;
	s4 =	sshll.u32 s11, $0x9;
	s12 =	sand.u32 $0x1, s3  }
0x7: {  	s19 =	sshll.u32 s11, $0x5;
	s3 =	sadd.s32 $0x800, s0;
	s21 =	sshll.u32 s11, $0x14  }
0x8: {  	s8 =	sadd.s32 $0xC00, s0;
	s9 =	sadd.s32 $0xD00, s0;
	s10 =	sadd.s32 $0xE00, s0  }
0x9: {  	s22 =	sand.u32 $0x7, s11;
	s11 =	sadd.s32 $0xF00, s0;
	_ =	strace $0x80000047  }
0xa: {  	s18 =	sand.u32 $0x800, s4;
	s5 =	sshll.u32 s12, $0x4;
	s7 =	ssub.s32 $0x2, s12  }
0xb: {  	s14 =	sand.u32 $0x800000, s21;
	s24 =	sshll.u32 s22, $0x14;
	s26 =	sshll.u32 s12, $0x13  }
0xc: {  	s21 =	simm.s32 $0xC000;
	s22 =	simm.s32 $0xC800;
	s6 =	sadd.s32 s18, s0  }
0xd: {  	s4 =	sor.u32 s5, s19;
	s20 =	sshrl.u32 s7, $0x1;
	s5 =	sadd.s32 $0x900, s0  }
0xe: {  	s23 =	sadd.s32 s14, s1;
	s14 =	simm.s32 $0x1;
	s18 =	simm.s32 $0xA800  }
0xf: {  	s19 =	simm.s32 $0xB000;
	s1 =	simm.s32 $0x0;
	s4 =	sand.u32 $0x70, s4  }
0x10: {  	s13 =	ssub.s32 s7, s20;
	s7 =	sadd.s32 $0xB00, s0;
	s20 =	simm.s32 $0xB800  }
.Ltmp0:
0x11: {  	s4 =	sadd.s32 s4, s6;
	s6 =	sadd.s32 $0xA00, s0;
	(pc) =	sbr.rel .LBB2_1-.Ltmp0, $4  }
0x12: {  	s25 =	smax.u32 s13, $0x1;
	s0 =	sadd.s32 s24, s23;
	s13 =	simm.s32 $0xA000  }
0x13: {  	v2 =	vlaneseq.u32;
	s23 =	simm.s32 $0xD000;
	s4 =	sadd.s32 $0x10800, s4;
	[dreg:$0x4] =	wrdreg s25  }
0x14: {  	vm0 =	vmmov $0xffff;
	v1 =	vshrl.u32 v2, $0x3;
	s24 =	simm.s32 $0xD800;
	s0 =	sadd.s32 s26, s0;
	[dreg:$0x3] =	wrdreg s4  }
0x15: {  	v0 =	vand.u32 $0x7, v2;
	v2 =	vor.u32 $0x8, v2;
	v1 =	vmul.u32 $0x8, v1;
	s25 =	simm.s32 $0xE000;
	s26 =	simm.s32 $0xE800;
	[dreg:$0x5] =	wrdreg s0  }
.LBB2_4:
0x16: {  	s0 =	sadd.s32 $0x1000, s0  }
0x17: {  	[hbm4b:s0+s2] =	stream.linear.scatter [tilespmem:s15], [sflag:$0x3], $0x8000, $0x38;
	[tilespmem:$0x10800] =	vst v63  }
0x18: {  	_ =	swait.ge [sflag:s16], $0x8000  }
0x19: {  	s1 =	rddreg [dreg:$0x6]  }
0x1a: {  	s12 =	rddreg [dreg:$0x4];
	s1 =	sadd.s32 $0x1, s1  }
0x1b: {  	p0 =	sne.s32 s1, s12  }
.Ltmp1:
0x1c: {  	_ = 	snop;
	(pc) =	sbr.rel @!p0 .LBB2_5-.Ltmp1, $3  }
0x1d: {  	_ =	sdelay $0x1  }
0x1e: {  	[sflag:s16] =	ssyncset.done $0x0  }
0x1f: {  	[sflag:s16] =	ssyncadd.s32 $0xFFFF8000  }
.LBB2_1:
0x20: {  	[dreg:$0x6] =	wrdreg s1  }
0x21: {  	s0 =	rddreg [dreg:$0x3];
	s12 =	simm.s32 $0x80;
	s4 =	simm.s32 $0x400  }
0x22: {  	[tilespmem:s2], [sflag:$0x3] =	stream.strided.gather [hbm4b:s0+s12], $0x800, s4, s12, $0x38;
	[tilespmem:$0x10800] =	vst v63  }
0x23: {  	_ =	swait.ge [sflag:s16], $0x800  }
0x24: {  	[sflag:s16] =	ssyncset.done $0x0  }
0x25: {  	[sflag:s16] =	ssyncadd.s32 $0xFFFFF800  }
0x26: {  	v3 =	vld [tilespmem:$0x0];
	_ =	sdelay $0x4  }
0x27: {  	v4 =	vshll.u32 v3, $0x4  }
0x28: {  	v3 =	vand.u32 $0x7, v3;
	v4 =	vand.u32 $0xFFFFFF80, v4  }
0x29: {  	v3 =	vor.u32 v3, v4  }
0x2a: {  	v4 =	vperm.xlane v3, v0;
	_ =	sdelay $0x1  }
0x2b: {  	v4 =	vadd.s32 v1, v4;
	_ =	sdelay $0x4  }
0x2c: {  	[tilespmem:s17], [sflag:$0x1] =	stream.indirect_vreg.gather [hbm4b:s3+s2], $0x80, v4, vm0, $0xb8;
	[tilespmem:$0x10800] =	vst v63  }
0x2d: {  	s1 =	simm.s32 $0x1000  }
0x2e: {  	[tilespmem:s1], [sflag:$0x1] =	stream.indirect_vreg.gather [hbm4b:s5+s2], $0x80, v4, vm0, $0xb8;
	[tilespmem:$0x10800] =	vst v63  }
0x2f: {  	s4 =	simm.s32 $0x1800  }
0x30: {  	[tilespmem:s4], [sflag:$0x1] =	stream.indirect_vreg.gather [hbm4b:s6+s2], $0x80, v4, vm0, $0xb8;
	[tilespmem:$0x10800] =	vst v63  }
0x31: {  	s12 =	simm.s32 $0x2000  }
0x32: {  	[tilespmem:s12], [sflag:$0x1] =	stream.indirect_vreg.gather [hbm4b:s7+s2], $0x80, v4, vm0, $0xb8;
	[tilespmem:$0x10800] =	vst v63  }
0x33: {  	s1 =	simm.s32 $0x2800  }
0x34: {  	[tilespmem:s1], [sflag:$0x1] =	stream.indirect_vreg.gather [hbm4b:s8+s2], $0x80, v4, vm0, $0xb8;
	[tilespmem:$0x10800] =	vst v63  }
0x35: {  	v3 =	vperm.xlane v3, v2;
	s4 =	simm.s32 $0x3000  }
0x36: {  	[tilespmem:s4], [sflag:$0x1] =	stream.indirect_vreg.gather [hbm4b:s9+s2], $0x80, v4, vm0, $0xb8;
	[tilespmem:$0x10800] =	vst v63  }
0x37: {  	v3 =	vadd.s32 v1, v3;
	s12 =	simm.s32 $0x3800  }
0x38: {  	[tilespmem:s12], [sflag:$0x1] =	stream.indirect_vreg.gather [hbm4b:s10+s2], $0x80, v4, vm0, $0xb8;
	[tilespmem:$0x10800] =	vst v63  }
0x39: {  	s1 =	simm.s32 $0x4000  }
0x3a: {  	[tilespmem:s1], [sflag:$0x1] =	stream.indirect_vreg.gather [hbm4b:s11+s2], $0x80, v4, vm0, $0xb8;
	[tilespmem:$0x10800] =	vst v63  }
0x3b: {  	s4 =	simm.s32 $0x4800  }
0x3c: {  	[tilespmem:s4], [sflag:$0x1] =	stream.indirect_vreg.gather [hbm4b:s3+s2], $0x80, v3, vm0, $0xb8;
	[tilespmem:$0x10800] =	vst v63  }
0x3d: {  	s12 =	simm.s32 $0x5000  }
0x3e: {  	[tilespmem:s12], [sflag:$0x1] =	stream.indirect_vreg.gather [hbm4b:s5+s2], $0x80, v3, vm0, $0xb8;
	[tilespmem:$0x10800] =	vst v63  }
0x3f: {  	s1 =	simm.s32 $0x5800  }
0x40: {  	[tilespmem:s1], [sflag:$0x1] =	stream.indirect_vreg.gather [hbm4b:s6+s2], $0x80, v3, vm0, $0xb8;
	[tilespmem:$0x10800] =	vst v63  }
0x41: {  	s4 =	simm.s32 $0x6000  }
0x42: {  	[tilespmem:s4], [sflag:$0x1] =	stream.indirect_vreg.gather [hbm4b:s7+s2], $0x80, v3, vm0, $0xb8;
	[tilespmem:$0x10800] =	vst v63  }
0x43: {  	s12 =	simm.s32 $0x6800  }
0x44: {  	[tilespmem:s12], [sflag:$0x1] =	stream.indirect_vreg.gather [hbm4b:s8+s2], $0x80, v3, vm0, $0xb8;
	[tilespmem:$0x10800] =	vst v63  }
0x45: {  	s1 =	simm.s32 $0x7000  }
0x46: {  	[tilespmem:s1], [sflag:$0x1] =	stream.indirect_vreg.gather [hbm4b:s9+s2], $0x80, v3, vm0, $0xb8;
	[tilespmem:$0x10800] =	vst v63  }
0x47: {  	s0 =	rddreg [dreg:$0x5];
	s4 =	simm.s32 $0x7800  }
0x48: {  	[tilespmem:s4], [sflag:$0x1] =	stream.indirect_vreg.gather [hbm4b:s10+s2], $0x80, v3, vm0, $0xb8;
	[tilespmem:$0x10800] =	vst v63  }
0x49: {  	s12 =	simm.s32 $0x8000;
	s1 =	simm.s32 $0x20;
	s4 =	simm.s32 $0x0  }
0x4a: {  	[tilespmem:s12], [sflag:$0x1] =	stream.indirect_vreg.gather [hbm4b:s11+s2], $0x80, v3, vm0, $0xb8;
	[tilespmem:$0x10800] =	vst v63  }
.LBB2_2:
0x4b: {  	_ =	swait.ge [sflag:s14], $0x8000  }
0x4c: {  	[sflag:s14] =	ssyncset.done $0x0  }
0x4d: {  	[sflag:s14] =	ssyncadd.s32 $0xFFFF8000  }
0x4e: {  	v3 =	vld [tilespmem:s1+$0xFFFFFFF0];
	_ =	sdelay $0x4  }
0x4f: {  	v4 =	vshll.u32 v3, $0x4  }
0x50: {  	v3 =	vand.u32 $0x7, v3;
	v4 =	vand.u32 $0xFFFFFF80, v4  }
0x51: {  	v3 =	vor.u32 v3, v4  }
0x52: {  	v4 =	vperm.xlane v3, v0;
	_ =	sdelay $0x1  }
0x53: {  	v4 =	vadd.s32 v1, v4;
	_ =	sdelay $0x4  }
0x54: {  	[tilespmem:s15], [sflag:$0x2] =	stream.indirect_vreg.gather [hbm4b:s3+s2], $0x80, v4, vm0, $0xb8;
	[tilespmem:$0x10800] =	vst v63  }
0x55: {  	s12 =	simm.s32 $0x9000  }
0x56: {  	[tilespmem:s12], [sflag:$0x2] =	stream.indirect_vreg.gather [hbm4b:s5+s2], $0x80, v4, vm0, $0xb8;
	[tilespmem:$0x10800] =	vst v63  }
0x57: {  	s12 =	simm.s32 $0x9800  }
0x58: {  	[tilespmem:s12], [sflag:$0x2] =	stream.indirect_vreg.gather [hbm4b:s6+s2], $0x80, v4, vm0, $0xb8;
	[tilespmem:$0x10800] =	vst v63  }
0x59: {  	_ = 	snop  }
0x5a: {  	[tilespmem:s13], [sflag:$0x2] =	stream.indirect_vreg.gather [hbm4b:s7+s2], $0x80, v4, vm0, $0xb8;
	[tilespmem:$0x10800] =	vst v63  }
0x5b: {  	_ = 	snop  }
0x5c: {  	[tilespmem:s18], [sflag:$0x2] =	stream.indirect_vreg.gather [hbm4b:s8+s2], $0x80, v4, vm0, $0xb8;
	[tilespmem:$0x10800] =	vst v63  }
0x5d: {  	v3 =	vperm.xlane v3, v2  }
0x5e: {  	[tilespmem:s19], [sflag:$0x2] =	stream.indirect_vreg.gather [hbm4b:s9+s2], $0x80, v4, vm0, $0xb8;
	[tilespmem:$0x10800] =	vst v63  }
0x5f: {  	v3 =	vadd.s32 v1, v3  }
0x60: {  	[tilespmem:s20], [sflag:$0x2] =	stream.indirect_vreg.gather [hbm4b:s10+s2], $0x80, v4, vm0, $0xb8;
	[tilespmem:$0x10800] =	vst v63  }
0x61: {  	_ = 	snop  }
0x62: {  	[tilespmem:s21], [sflag:$0x2] =	stream.indirect_vreg.gather [hbm4b:s11+s2], $0x80, v4, vm0, $0xb8;
	[tilespmem:$0x10800] =	vst v63  }
0x63: {  	_ = 	snop  }
0x64: {  	[tilespmem:s22], [sflag:$0x2] =	stream.indirect_vreg.gather [hbm4b:s3+s2], $0x80, v3, vm0, $0xb8;
	[tilespmem:$0x10800] =	vst v63  }
0x65: {  	_ = 	snop  }
0x66: {  	[tilespmem:s23], [sflag:$0x2] =	stream.indirect_vreg.gather [hbm4b:s5+s2], $0x80, v3, vm0, $0xb8;
	[tilespmem:$0x10800] =	vst v63  }
0x67: {  	_ = 	snop  }
0x68: {  	[tilespmem:s24], [sflag:$0x2] =	stream.indirect_vreg.gather [hbm4b:s6+s2], $0x80, v3, vm0, $0xb8;
	[tilespmem:$0x10800] =	vst v63  }
0x69: {  	_ = 	snop  }
0x6a: {  	[tilespmem:s25], [sflag:$0x2] =	stream.indirect_vreg.gather [hbm4b:s7+s2], $0x80, v3, vm0, $0xb8;
	[tilespmem:$0x10800] =	vst v63  }
0x6b: {  	_ = 	snop  }
0x6c: {  	[tilespmem:s26], [sflag:$0x2] =	stream.indirect_vreg.gather [hbm4b:s8+s2], $0x80, v3, vm0, $0xb8;
	[tilespmem:$0x10800] =	vst v63  }
0x6d: {  	_ = 	snop  }
0x6e: {  	[tilespmem:s28], [sflag:$0x2] =	stream.indirect_vreg.gather [hbm4b:s9+s2], $0x80, v3, vm0, $0xb8;
	[tilespmem:$0x10800] =	vst v63  }
0x6f: {  	_ = 	snop  }
0x70: {  	[tilespmem:s29], [sflag:$0x2] =	stream.indirect_vreg.gather [hbm4b:s10+s2], $0x80, v3, vm0, $0xb8;
	[tilespmem:$0x10800] =	vst v63  }
0x71: {  	_ = 	snop  }
0x72: {  	[tilespmem:s30], [sflag:$0x2] =	stream.indirect_vreg.gather [hbm4b:s11+s2], $0x80, v3, vm0, $0xb8;
	[tilespmem:$0x10800] =	vst v63  }
0x73: {  	_ = 	snop  }
0x74: {  	[hbm4b:s0+s2] =	stream.linear.scatter [tilespmem:s17], [sflag:$0x3], $0x8000, $0x38;
	[tilespmem:$0x10800] =	vst v63  }
0x75: {  	p0 =	sgt.u32 s4, $0x7D;
	_ =	swait.ge [sflag:s16], $0x8000  }
.Ltmp2:
0x76: {  	[sflag:s16] =	ssyncset.done $0x0;
	(pc) =	sbr.rel @p0 .LBB2_4-.Ltmp2, $4  }
0x77: {  	[sflag:s16] =	ssyncadd.s32 $0xFFFF8000  }
0x78: {  	_ =	swait.ge [sflag:s31], $0x8000  }
0x79: {  	[sflag:s31] =	ssyncset.done $0x0  }
0x7a: {  	[sflag:s31] =	ssyncadd.s32 $0xFFFF8000  }
0x7b: {  	v3 =	vld [tilespmem:s1+$0x0];
	_ =	sdelay $0x4  }
0x7c: {  	v4 =	vshll.u32 v3, $0x4  }
0x7d: {  	v3 =	vand.u32 $0x7, v3;
	v4 =	vand.u32 $0xFFFFFF80, v4  }
0x7e: {  	v3 =	vor.u32 v3, v4  }
0x7f: {  	v4 =	vperm.xlane v3, v0;
	_ =	sdelay $0x1  }
0x80: {  	v4 =	vadd.s32 v1, v4;
	_ =	sdelay $0x4  }
0x81: {  	[tilespmem:s17], [sflag:$0x1] =	stream.indirect_vreg.gather [hbm4b:s3+s2], $0x80, v4, vm0, $0xb8;
	[tilespmem:$0x10800] =	vst v63  }
0x82: {  	s12 =	simm.s32 $0x1000  }
0x83: {  	[tilespmem:s12], [sflag:$0x1] =	stream.indirect_vreg.gather [hbm4b:s5+s2], $0x80, v4, vm0, $0xb8;
	[tilespmem:$0x10800] =	vst v63  }
0x84: {  	s12 =	simm.s32 $0x1800  }
0x85: {  	[tilespmem:s12], [sflag:$0x1] =	stream.indirect_vreg.gather [hbm4b:s6+s2], $0x80, v4, vm0, $0xb8;
	[tilespmem:$0x10800] =	vst v63  }
0x86: {  	s12 =	simm.s32 $0x2000  }
0x87: {  	[tilespmem:s12], [sflag:$0x1] =	stream.indirect_vreg.gather [hbm4b:s7+s2], $0x80, v4, vm0, $0xb8;
	[tilespmem:$0x10800] =	vst v63  }
0x88: {  	s12 =	simm.s32 $0x2800  }
0x89: {  	[tilespmem:s12], [sflag:$0x1] =	stream.indirect_vreg.gather [hbm4b:s8+s2], $0x80, v4, vm0, $0xb8;
	[tilespmem:$0x10800] =	vst v63  }
0x8a: {  	v3 =	vperm.xlane v3, v2;
	s12 =	simm.s32 $0x3000  }
0x8b: {  	[tilespmem:s12], [sflag:$0x1] =	stream.indirect_vreg.gather [hbm4b:s9+s2], $0x80, v4, vm0, $0xb8;
	[tilespmem:$0x10800] =	vst v63  }
0x8c: {  	v3 =	vadd.s32 v1, v3;
	s12 =	simm.s32 $0x3800  }
0x8d: {  	[tilespmem:s12], [sflag:$0x1] =	stream.indirect_vreg.gather [hbm4b:s10+s2], $0x80, v4, vm0, $0xb8;
	[tilespmem:$0x10800] =	vst v63  }
0x8e: {  	s12 =	simm.s32 $0x4000  }
0x8f: {  	[tilespmem:s12], [sflag:$0x1] =	stream.indirect_vreg.gather [hbm4b:s11+s2], $0x80, v4, vm0, $0xb8;
	[tilespmem:$0x10800] =	vst v63  }
0x90: {  	s12 =	simm.s32 $0x4800  }
0x91: {  	[tilespmem:s12], [sflag:$0x1] =	stream.indirect_vreg.gather [hbm4b:s3+s2], $0x80, v3, vm0, $0xb8;
	[tilespmem:$0x10800] =	vst v63  }
0x92: {  	s12 =	simm.s32 $0x5000  }
0x93: {  	[tilespmem:s12], [sflag:$0x1] =	stream.indirect_vreg.gather [hbm4b:s5+s2], $0x80, v3, vm0, $0xb8;
	[tilespmem:$0x10800] =	vst v63  }
0x94: {  	s12 =	simm.s32 $0x5800  }
0x95: {  	[tilespmem:s12], [sflag:$0x1] =	stream.indirect_vreg.gather [hbm4b:s6+s2], $0x80, v3, vm0, $0xb8;
	[tilespmem:$0x10800] =	vst v63  }
0x96: {  	s12 =	simm.s32 $0x6000  }
0x97: {  	[tilespmem:s12], [sflag:$0x1] =	stream.indirect_vreg.gather [hbm4b:s7+s2], $0x80, v3, vm0, $0xb8;
	[tilespmem:$0x10800] =	vst v63  }
0x98: {  	s12 =	simm.s32 $0x6800  }
0x99: {  	[tilespmem:s12], [sflag:$0x1] =	stream.indirect_vreg.gather [hbm4b:s8+s2], $0x80, v3, vm0, $0xb8;
	[tilespmem:$0x10800] =	vst v63  }
0x9a: {  	s12 =	simm.s32 $0x7000  }
0x9b: {  	[tilespmem:s12], [sflag:$0x1] =	stream.indirect_vreg.gather [hbm4b:s9+s2], $0x80, v3, vm0, $0xb8;
	[tilespmem:$0x10800] =	vst v63  }
0x9c: {  	s12 =	simm.s32 $0x7800  }
0x9d: {  	[tilespmem:s12], [sflag:$0x1] =	stream.indirect_vreg.gather [hbm4b:s10+s2], $0x80, v3, vm0, $0xb8;
	[tilespmem:$0x10800] =	vst v63  }
0x9e: {  	s12 =	simm.s32 $0x8000  }
0x9f: {  	[tilespmem:s12], [sflag:$0x1] =	stream.indirect_vreg.gather [hbm4b:s11+s2], $0x80, v3, vm0, $0xb8;
	[tilespmem:$0x10800] =	vst v63  }
.Ltmp3:
0xa0: {  	s12 =	sadd.s32 $0x1000, s0;
	(pc) =	sbr.rel .LBB2_2-.Ltmp3, $4  }
0xa1: {  	[hbm4b:s12+s2] =	stream.linear.scatter [tilespmem:s15], [sflag:$0x3], $0x8000, $0x38;
	[tilespmem:$0x10800] =	vst v63  }
0xa2: {  	_ =	swait.ge [sflag:s16], $0x8000  }
0xa3: {  	s4 =	sadd.s32 $0x2, s4;
	[sflag:s16] =	ssyncset.done $0x0  }
0xa4: {  	s1 =	sadd.s32 $0x20, s1;
	s0 =	sadd.s32 $0x2000, s0;
	[sflag:s16] =	ssyncadd.s32 $0xFFFF8000  }
.LBB2_5:
0xa5: {  	_ =	sfence.sel $0x180000  }
0xa6: {  	[bflag:$0x0] =	sbarrier.arrive $0xFFFF  }
0xa7: {  	_ =	strace $0x90000047  }
0xa8: {  	s0 =	stileid.u32;
	[bflag:$0x2] =	sbarrier.arrive $0xFFFF  }
0xa9: {  	p0 =	sne.s32 s0, $0x0;
	s0 =	rddreg [dreg:$0x2]  }
0xaa: {  	s0 =	sadd.s32 @!p0 $0x100000, s0  }
0xab: {  	[sflag:s0] =	ssyncadd.tile.s32 @!p0 $0x1;
	_ =	shalt  }
.Lfunc_end2:
_tile_overlayer_lowered:
.L_overlay_start_2:
0xac: {  	(tag) =	ssettag $0x2  }
0xad: {  	s0 =	rddreg [dreg:$0x0];
	s2 =	stileid.u32  }
0xae: {  	s1 =	rddreg [dreg:$0x1];
	p0 =	sne.s32 s2, $0x0  }
0xaf: {  	s3 =	rddreg [dreg:$0x2];
	[bflag:$0x3] =	sbarrier.arrive $0xFFFF;
	s2 =	simm.s32 @!p0 $0x1C03  }
0xb0: {  	[timem:s3], [sflag:s2] =	dma.local @!p0 [hbm:s0], s1  }
0xb1: {  	s0 =	simm.s32 @!p0 $0x3  }
0xb2: {  	_ =	swait.ge @!p0 [sflag:s0], s1  }
0xb3: {  	s1 =	ssub.s32 @!p0 $0x0, s1;
	[sflag:s0] =	ssyncset.done @!p0 $0x0  }
0xb4: {  	[sflag:s0] =	ssyncadd.s32 @!p0 s1  }
0xb5: {  	[bflag:$0x3] =	sbarrier.arrive $0xFFFF  }
0xb6: {  	_ =	shalt  }

</sc_bundles>
